<compile_context>
chip_gen: v7x
topology: tpu7x:2x2x1
jax: 0.10.2.dev20260603
libtpu: 0.0.44.dev20260713+nightly
codegen_flags: <defaults>
</compile_context>

<pallas_src>
import jax
import jax.numpy as jnp
from jax import lax
from jax.experimental import pallas as pl
from jax.experimental.pallas import tpu as pltpu

N = 50000
B = 256
H = 256
HF = 3 * H

KN = 1000
NBLK = N // KN
NPAD = 50176

IDXR = NPAD // 128
IDXT = IDXR // 8


def _onehot_bf16(idxb):
    oh = (idxb[:, None] == lax.broadcasted_iota(jnp.int32, (1, B), 1))
    return oh.astype(jnp.bfloat16)


def _pass1_body(x_ref, idx_ref, sums_ref, acc_ref):
    i = pl.program_id(0)

    @pl.when(i == 0)
    def _():
        acc_ref[...] = jnp.zeros_like(acc_ref)

    p = _onehot_bf16(idx_ref[0, 0, :])
    xc = x_ref[...].astype(jnp.bfloat16)
    acc_ref[...] += lax.dot_general(p, xc, (((0,), (0,)), ((), ())),
                                    preferred_element_type=jnp.float32)

    @pl.when(i == NBLK - 1)
    def _():
        sums_ref[...] = acc_ref[...]


_pass1 = pl.pallas_call(
    _pass1_body,
    grid=(NBLK,),
    in_specs=[
        pl.BlockSpec((KN, HF), lambda i: (i, 0)),
        pl.BlockSpec((1, 1, KN), lambda i: (i, 0, 0)),
    ],
    out_specs=pl.BlockSpec((B, HF), lambda i: (0, 0)),
    out_shape=jax.ShapeDtypeStruct((B, HF), jnp.float32),
    scratch_shapes=[pltpu.VMEM((B, HF), jnp.float32)],
)


def _prep_body(sums_ref, idx2d_ref, gvf_ref, wg_ref, wn_ref, ng_ref, gw_ref):
    sums = sums_ref[...]

    iota_b = lax.broadcasted_iota(jnp.int32, (1, 1, B), 2)

    def cnt_body(t, cnt):
        blk = idx2d_ref[pl.ds(t * 8, 8), :]
        eq = (blk[:, :, None] == iota_b).astype(jnp.float32)
        return cnt + jnp.sum(eq, axis=(0, 1))[None, :]

    cnt_row = lax.fori_loop(0, IDXT, cnt_body,
                            jnp.zeros((1, B), jnp.float32))
    eye = (lax.broadcasted_iota(jnp.int32, (B, B), 0)
           == lax.broadcasted_iota(jnp.int32, (B, B), 1)).astype(jnp.float32)
    cnt_col = lax.dot_general(eye, cnt_row, (((1,), (1,)), ((), ())),
                              preferred_element_type=jnp.float32)
    inv = 1.0 / jnp.maximum(cnt_col, 1.0)

    t = sums * inv + gvf_ref[...]
    for j in range(3):
        tj = t[:, j * H:(j + 1) * H]
        ngj = lax.dot_general(tj, wg_ref[...], (((1,), (1,)), ((), ())),
                              preferred_element_type=jnp.float32)
        ng_ref[:, j * H:(j + 1) * H] = ngj
        gw_ref[:, j * H:(j + 1) * H] = lax.dot_general(
            ngj, wn_ref[...], (((1,), (1,)), ((), ())),
            preferred_element_type=jnp.float32)


_prep = pl.pallas_call(
    _prep_body,
    out_shape=(
        jax.ShapeDtypeStruct((B, HF), jnp.float32),
        jax.ShapeDtypeStruct((B, HF), jnp.float32),
    ),
)


def _main_body(x_ref, idx_ref, gw_ref, wn_ref, o_ref):
    xb = x_ref[...]
    xc = xb.astype(jnp.bfloat16)
    wn = wn_ref[...].astype(jnp.bfloat16)
    mms = []
    for j in range(3):
        xj = xc[:, j * H:(j + 1) * H]
        mms.append(lax.dot_general(xj, wn, (((1,), (1,)), ((), ())),
                                   preferred_element_type=jnp.float32))
    mm = jnp.concatenate(mms, axis=1)
    p = _onehot_bf16(idx_ref[0, 0, :])
    gw2 = gw_ref[...].astype(jnp.bfloat16)
    g = lax.dot_general(p, gw2, (((1,), (0,)), ((), ())),
                        preferred_element_type=jnp.float32)
    o_ref[...] = mm + xb + g


_main = pl.pallas_call(
    _main_body,
    grid=(NBLK,),
    in_specs=[
        pl.BlockSpec((KN, HF), lambda i: (i, 0)),
        pl.BlockSpec((1, 1, KN), lambda i: (i, 0, 0)),
        pl.BlockSpec((B, HF), lambda i: (0, 0)),
        pl.BlockSpec((H, H), lambda i: (0, 0)),
    ],
    out_specs=pl.BlockSpec((KN, HF), lambda i: (i, 0)),
    out_shape=jax.ShapeDtypeStruct((N, HF), jnp.float32),
)


def kernel(node_vectors, batch_idx, global_vectors, W_node, W_global):
    idx32 = batch_idx.astype(jnp.int32)
    idx_pad = jnp.pad(idx32, (0, NPAD - N), constant_values=B)
    idx3 = idx32.reshape(NBLK, 1, KN)
    x2d = node_vectors.reshape(N, HF)

    sums = _pass1(x2d, idx3)

    gv_flat = global_vectors.reshape(B, HF)
    new_global, gw = _prep(sums, idx_pad.reshape(IDXR, 128), gv_flat,
                           W_global, W_node)

    enhanced = _main(x2d, idx3, gw, W_node)
    return enhanced.reshape(N, 3, H), new_global.reshape(B, 3, H)

# --- scband reference (transcript-rebuilt; emitter-appended) ---
"""Pipeline reference for scband-global-vector-processor-66374424592459 (READ-ONLY COPY).

The authoritative reference and input builder live on the scoring server;
editing this copy changes nothing except your own understanding.
"""

import jax, jax.numpy as jnp
import numpy as np

N = 50000
B = 256
H = 256


def setup_inputs(seed: int = 0) -> dict:
    key = jax.random.key(seed)
    k1, k2, k3, k4, k5 = jax.random.split(key, 5)
    node_vectors = jax.random.normal(k1, (N, 3, H), dtype=jnp.float32)
    batch_idx = jnp.sort(jax.random.randint(k2, (N,), 0, B, dtype=jnp.int64))
    global_vectors = jax.random.normal(k3, (B, 3, H), dtype=jnp.float32)
    # Learned params: two bias-free linear layers (PyTorch Linear: y = x @ W.T)
    bound = 1.0 / np.sqrt(H)
    W_node = jax.random.uniform(k4, (H, H), dtype=jnp.float32, minval=-bound, maxval=bound)
    W_global = jax.random.uniform(k5, (H, H), dtype=jnp.float32, minval=-bound, maxval=bound)
    return {
        'node_vectors': node_vectors,
        'batch_idx': batch_idx,
        'global_vectors': global_vectors,
        'W_node': W_node,
        'W_global': W_global,
    }


def reference(node_vectors, batch_idx, global_vectors, W_node, W_global):
    # update_global_vectors: scatter-mean of node vectors into per-graph globals
    sums = jax.ops.segment_sum(node_vectors, batch_idx, num_segments=B)
    counts = jax.ops.segment_sum(
        jnp.ones((node_vectors.shape[0],), dtype=node_vectors.dtype),
        batch_idx, num_segments=B)
    pooled = sums / jnp.clip(counts, 1.0)[:, None, None]
    updated_global = (pooled + global_vectors) @ W_global.T
    # use_residual = False -> overwrite
    new_global = updated_global
    # update_local_vectors: broadcast global context back to nodes (gather)
    enhanced = (node_vectors + new_global[batch_idx]) @ W_node.T + node_vectors
    return enhanced, new_global

if __name__ == "__main__":
    import jax
    _d = setup_inputs()
    print(jax.jit(kernel)(*tuple(_d.values())))

</pallas_src>

<mosaic_0001>
module attributes {stable_mosaic.version = 14 : i64} {
  func.func @_pass1_body(%arg0: i32, %arg1: memref<1000x768xf32, #tpu.memory_space<vmem>>, %arg2: memref<1x1x1000xi32, #tpu.memory_space<vmem>>, %arg3: memref<256x768xf32, #tpu.memory_space<vmem>>, %arg4: memref<256x768xf32, #tpu.memory_space<vmem>>) attributes {dimension_semantics = [#tpu.dimension_semantics<arbitrary>], iteration_bounds = array<i64: 50>, scalar_prefetch = 0 : i64, scratch_operands = 1 : i64, tpu.core_type = #tpu.core_type<tc>, window_params = [{transform_indices = @transform_0, window_bounds = array<i64: 1000, 768>}, {transform_indices = @transform_1, window_bounds = array<i64: 1, 1, 1000>}, {pipeline_mode = #tpu.pipeline_mode<synchronous>, transform_indices = @transform_2, window_bounds = array<i64: 256, 768>}]} {
    %eq3A = arith.constant 0 : i32
    %eq3A_0 = arith.cmpi eq, %arg0, %eq3A : i32
    %convert_element_type3A = arith.extui %eq3A_0 : i1 to i32
    %cond3A = arith.constant 0 : i32
    %cond3A_1 = arith.cmpi ne, %convert_element_type3A, %cond3A : i32
    scf.if %cond3A_1 {
      %broadcast_in_dim3A_27 = arith.constant 0.000000e+00 : f32
      %broadcast_in_dim3A_28 = vector.broadcast %broadcast_in_dim3A_27 : f32 to vector<256x768xf32>
      %swap3A_29 = arith.constant 0 : index
      %swap3A_30 = arith.constant 0 : index
      %swap3A_31 = vector.load %arg4[%swap3A_29, %swap3A_30] : memref<256x768xf32, #tpu.memory_space<vmem>>, vector<256x768xf32>
      tpu.vector_store %arg4[%swap3A_29, %swap3A_30], %broadcast_in_dim3A_28 {strides = array<i32>} : memref<256x768xf32, #tpu.memory_space<vmem>>, vector<256x768xf32>,
    } else {
    }
    %get3A = arith.constant 0 : index
    %get3A_2 = arith.constant 0 : index
    %get3A_3 = arith.constant 0 : index
    %get3A_4 = vector.load %arg2[%get3A, %get3A_2, %get3A_3] : memref<1x1x1000xi32, #tpu.memory_space<vmem>>, vector<1x1x1000xi32>
    %get3A_5 = vector.shape_cast %get3A_4 : vector<1x1x1000xi32> to vector<1000xi32>
    %broadcast_in_dim3A = vector.shape_cast %get3A_5 : vector<1000xi32> to vector<1000x1xi32>
    %iota3A = tpu.iota {dimensions = array<i32: 1>} : vector<1x256xi32>
    %eq3A_6 = vector.broadcast %broadcast_in_dim3A : vector<1000x1xi32> to vector<1000x256xi32>
    %eq3A_7 = vector.broadcast %iota3A : vector<1x256xi32> to vector<1000x256xi32>
    %eq3A_8 = arith.cmpi eq, %eq3A_6, %eq3A_7 : vector<1000x256xi32>
    %convert_element_type3A_9 = arith.extui %eq3A_8 : vector<1000x256xi1> to vector<1000x256xi32>
    %convert_element_type3A_10 = arith.sitofp %convert_element_type3A_9 : vector<1000x256xi32> to vector<1000x256xf32>
    %convert_element_type3A_11 = arith.truncf %convert_element_type3A_10 : vector<1000x256xf32> to vector<1000x256xbf16>
    %get3A_12 = arith.constant 0 : index
    %get3A_13 = arith.constant 0 : index
    %get3A_14 = vector.load %arg1[%get3A_12, %get3A_13] : memref<1000x768xf32, #tpu.memory_space<vmem>>, vector<1000x768xf32>
    %convert_element_type3A_15 = arith.truncf %get3A_14 : vector<1000x768xf32> to vector<1000x768xbf16>
    %get3A_16 = arith.constant 0 : index
    %get3A_17 = arith.constant 0 : index
    %get3A_18 = vector.load %arg4[%get3A_16, %get3A_17] : memref<256x768xf32, #tpu.memory_space<vmem>>, vector<256x768xf32>
    %dot_general3A = arith.constant dense<0.000000e+00> : vector<256x768xf32>
    %dot_general3A_19 = tpu.matmul %convert_element_type3A_11, %convert_element_type3A_15, %dot_general3A {dimension_numbers = #tpu.dot_dimension_numbers<[0], [0], [1], [1], [0, 1, 1, 1], [], []>, transpose_lhs_hint = false} : vector<1000x256xbf16>, vector<1000x768xbf16>, vector<256x768xf32> -> vector<256x768xf32>
    %add3A = arith.addf %get3A_18, %dot_general3A_19 : vector<256x768xf32>
    %swap3A = arith.constant 0 : index
    %swap3A_20 = arith.constant 0 : index
    %swap3A_21 = vector.load %arg4[%swap3A, %swap3A_20] : memref<256x768xf32, #tpu.memory_space<vmem>>, vector<256x768xf32>
    tpu.vector_store %arg4[%swap3A, %swap3A_20], %add3A {strides = array<i32>} : memref<256x768xf32, #tpu.memory_space<vmem>>, vector<256x768xf32>,
    %eq3A_22 = arith.constant 49 : i32
    %eq3A_23 = arith.cmpi eq, %arg0, %eq3A_22 : i32
    %convert_element_type3A_24 = arith.extui %eq3A_23 : i1 to i32
    %cond3A_25 = arith.constant 0 : i32
    %cond3A_26 = arith.cmpi ne, %convert_element_type3A_24, %cond3A_25 : i32
    scf.if %cond3A_26 {
      %get3A_27 = arith.constant 0 : index
      %get3A_28 = arith.constant 0 : index
      %get3A_29 = vector.load %arg4[%get3A_27, %get3A_28] : memref<256x768xf32, #tpu.memory_space<vmem>>, vector<256x768xf32>
      %swap3A_30 = arith.constant 0 : index
      %swap3A_31 = arith.constant 0 : index
      %swap3A_32 = vector.load %arg3[%swap3A_30, %swap3A_31] : memref<256x768xf32, #tpu.memory_space<vmem>>, vector<256x768xf32>
      tpu.vector_store %arg3[%swap3A_30, %swap3A_31], %get3A_29 {strides = array<i32>} : memref<256x768xf32, #tpu.memory_space<vmem>>, vector<256x768xf32>,
    } else {
    }
    return
  }
  func.func @transform_0(%arg0: i32) -> (i32, i32) {
    %c0_i32 = arith.constant 0 : i32
    %c0_i32_0 = arith.constant 0 : i32
    return %arg0, %c0_i32 : i32, i32
  }
  func.func @transform_1(%arg0: i32) -> (i32, i32, i32) {
    %c0_i32 = arith.constant 0 : i32
    %c0_i32_0 = arith.constant 0 : i32
    %c0_i32_1 = arith.constant 0 : i32
    return %arg0, %c0_i32, %c0_i32_0 : i32, i32, i32
  }
  func.func @transform_2(%arg0: i32) -> (i32, i32) {
    %c0_i32 = arith.constant 0 : i32
    %c0_i32_0 = arith.constant 0 : i32
    %c0_i32_1 = arith.constant 0 : i32
    return %c0_i32, %c0_i32_0 : i32, i32
  }
}

module attributes {stable_mosaic.version = 14 : i64} {
  func.func @_prep_body(%arg0: memref<256x768xf32, #tpu.memory_space<vmem>>, %arg1: memref<392x128xi32, #tpu.memory_space<vmem>>, %arg2: memref<256x768xf32, #tpu.memory_space<vmem>>, %arg3: memref<256x256xf32, #tpu.memory_space<vmem>>, %arg4: memref<256x256xf32, #tpu.memory_space<vmem>>, %arg5: memref<256x768xf32, #tpu.memory_space<vmem>>, %arg6: memref<256x768xf32, #tpu.memory_space<vmem>>) attributes {dimension_semantics = [], scalar_prefetch = 0 : i64, scratch_operands = 0 : i64, tpu.core_type = #tpu.core_type<tc>} {
    %get3A = arith.constant 0 : index
    %get3A_0 = arith.constant 0 : index
    %get3A_1 = vector.load %arg0[%get3A, %get3A_0] : memref<256x768xf32, #tpu.memory_space<vmem>>, vector<256x768xf32>
    %iota3A = tpu.iota {dimensions = array<i32: 2>} : vector<1x1x256xi32>
    %broadcast_in_dim3A = arith.constant 0.000000e+00 : f32
    %broadcast_in_dim3A_2 = vector.broadcast %broadcast_in_dim3A : f32 to vector<1x256xf32>
    %scan3A = arith.constant 0 : i32
    %scan3A_3 = arith.constant 49 : i32
    %scan3A_4 = arith.addi %scan3A, %scan3A_3 : i32
    %scan3A_5 = arith.constant 1 : i32
    %scan3A_6 = scf.for %scan3A_69 = %scan3A to %scan3A_4 step %scan3A_5 iter_args(%scan3A_70 = %broadcast_in_dim3A_2) -> (vector<1x256xf32>)  : i32 {
      %mul3A_71 = arith.constant 8 : i32
      %mul3A_72 = arith.muli %scan3A_69, %mul3A_71 : i32
      %get3A_73 = arith.index_cast %mul3A_72 : i32 to index
      %get3A_74 = arith.constant 0 : index
      %get3A_75 = vector.load %arg1[%get3A_73, %get3A_74] : memref<392x128xi32, #tpu.memory_space<vmem>>, vector<8x128xi32>
      %broadcast_in_dim3A_76 = vector.shape_cast %get3A_75 : vector<8x128xi32> to vector<8x128x1xi32>
      %eq3A_77 = vector.broadcast %broadcast_in_dim3A_76 : vector<8x128x1xi32> to vector<8x128x256xi32>
      %eq3A_78 = vector.broadcast %iota3A : vector<1x1x256xi32> to vector<8x128x256xi32>
      %eq3A_79 = arith.cmpi eq, %eq3A_77, %eq3A_78 : vector<8x128x256xi32>
      %convert_element_type3A_80 = arith.extui %eq3A_79 : vector<8x128x256xi1> to vector<8x128x256xi32>
      %convert_element_type3A_81 = arith.sitofp %convert_element_type3A_80 : vector<8x128x256xi32> to vector<8x128x256xf32>
      %reduce_sum3A = arith.constant dense<0.000000e+00> : vector<256xf32>
      %reduce_sum3A_82 = vector.multi_reduction <add>, %convert_element_type3A_81, %reduce_sum3A [0, 1] : vector<8x128x256xf32> to vector<256xf32>
      %broadcast_in_dim3A_83 = vector.shape_cast %reduce_sum3A_82 : vector<256xf32> to vector<1x256xf32>
      %add3A_84 = arith.addf %scan3A_70, %broadcast_in_dim3A_83 : vector<1x256xf32>
      scf.yield %add3A_84 : vector<1x256xf32>
    }
    %scan3A_7 = arith.constant 49 : i32
    %iota3A_8 = tpu.iota {dimensions = array<i32: 0>} : vector<256x256xi32>
    %iota3A_9 = tpu.iota {dimensions = array<i32: 1>} : vector<256x256xi32>
    %eq3A = arith.cmpi eq, %iota3A_8, %iota3A_9 : vector<256x256xi32>
    %convert_element_type3A = arith.extui %eq3A : vector<256x256xi1> to vector<256x256xi32>
    %convert_element_type3A_10 = arith.sitofp %convert_element_type3A : vector<256x256xi32> to vector<256x256xf32>
    %dot_general3A = arith.constant dense<0.000000e+00> : vector<256x1xf32>
    %dot_general3A_11 = tpu.matmul %convert_element_type3A_10, %scan3A_6, %dot_general3A {dimension_numbers = #tpu.dot_dimension_numbers<[1], [1], [0], [0], [0, 0, 1, 0], [], []>, transpose_lhs_hint = false} : vector<256x256xf32>, vector<1x256xf32>, vector<256x1xf32> -> vector<256x1xf32>
    %max3A = arith.constant 1.000000e+00 : f32
    %max3A_12 = vector.broadcast %max3A : f32 to vector<256x1xf32>
    %max3A_13 = arith.maximumf %dot_general3A_11, %max3A_12 : vector<256x1xf32>
    %div3A = arith.constant 1.000000e+00 : f32
    %div3A_14 = vector.broadcast %div3A : f32 to vector<256x1xf32>
    %div3A_15 = arith.divf %div3A_14, %max3A_13 : vector<256x1xf32>
    %mul3A = vector.broadcast %div3A_15 : vector<256x1xf32> to vector<256x768xf32>
    %mul3A_16 = arith.mulf %get3A_1, %mul3A : vector<256x768xf32>
    %get3A_17 = arith.constant 0 : index
    %get3A_18 = arith.constant 0 : index
    %get3A_19 = vector.load %arg2[%get3A_17, %get3A_18] : memref<256x768xf32, #tpu.memory_space<vmem>>, vector<256x768xf32>
    %add3A = arith.addf %mul3A_16, %get3A_19 : vector<256x768xf32>
    %slice3A = vector.extract_strided_slice %add3A {offsets = [0, 0], sizes = [256, 256], strides = [1, 1]} : vector<256x768xf32> to vector<256x256xf32>
    %get3A_20 = arith.constant 0 : index
    %get3A_21 = arith.constant 0 : index
    %get3A_22 = vector.load %arg3[%get3A_20, %get3A_21] : memref<256x256xf32, #tpu.memory_space<vmem>>, vector<256x256xf32>
    %dot_general3A_23 = arith.constant dense<0.000000e+00> : vector<256x256xf32>
    %dot_general3A_24 = tpu.matmul %slice3A, %get3A_22, %dot_general3A_23 {dimension_numbers = #tpu.dot_dimension_numbers<[1], [1], [0], [0], [0, 0, 1, 0], [], []>, transpose_lhs_hint = false} : vector<256x256xf32>, vector<256x256xf32>, vector<256x256xf32> -> vector<256x256xf32>
    %swap3A = arith.constant 0 : index
    %swap3A_25 = arith.constant 0 : index
    %swap3A_26 = vector.load %arg5[%swap3A, %swap3A_25] : memref<256x768xf32, #tpu.memory_space<vmem>>, vector<256x256xf32>
    tpu.vector_store %arg5[%swap3A, %swap3A_25], %dot_general3A_24 {strides = array<i32>} : memref<256x768xf32, #tpu.memory_space<vmem>>, vector<256x256xf32>,
    %get3A_27 = arith.constant 0 : index
    %get3A_28 = arith.constant 0 : index
    %get3A_29 = vector.load %arg4[%get3A_27, %get3A_28] : memref<256x256xf32, #tpu.memory_space<vmem>>, vector<256x256xf32>
    %dot_general3A_30 = arith.constant dense<0.000000e+00> : vector<256x256xf32>
    %dot_general3A_31 = tpu.matmul %dot_general3A_24, %get3A_29, %dot_general3A_30 {dimension_numbers = #tpu.dot_dimension_numbers<[1], [1], [0], [0], [0, 0, 1, 0], [], []>, transpose_lhs_hint = false} : vector<256x256xf32>, vector<256x256xf32>, vector<256x256xf32> -> vector<256x256xf32>
    %swap3A_32 = arith.constant 0 : index
    %swap3A_33 = arith.constant 0 : index
    %swap3A_34 = vector.load %arg6[%swap3A_32, %swap3A_33] : memref<256x768xf32, #tpu.memory_space<vmem>>, vector<256x256xf32>
    tpu.vector_store %arg6[%swap3A_32, %swap3A_33], %dot_general3A_31 {strides = array<i32>} : memref<256x768xf32, #tpu.memory_space<vmem>>, vector<256x256xf32>,
    %slice3A_35 = vector.extract_strided_slice %add3A {offsets = [0, 256], sizes = [256, 256], strides = [1, 1]} : vector<256x768xf32> to vector<256x256xf32>
    %get3A_36 = arith.constant 0 : index
    %get3A_37 = arith.constant 0 : index
    %get3A_38 = vector.load %arg3[%get3A_36, %get3A_37] : memref<256x256xf32, #tpu.memory_space<vmem>>, vector<256x256xf32>
    %dot_general3A_39 = arith.constant dense<0.000000e+00> : vector<256x256xf32>
    %dot_general3A_40 = tpu.matmul %slice3A_35, %get3A_38, %dot_general3A_39 {dimension_numbers = #tpu.dot_dimension_numbers<[1], [1], [0], [0], [0, 0, 1, 0], [], []>, transpose_lhs_hint = false} : vector<256x256xf32>, vector<256x256xf32>, vector<256x256xf32> -> vector<256x256xf32>
    %swap3A_41 = arith.constant 0 : index
    %swap3A_42 = arith.constant 256 : index
    %swap3A_43 = vector.load %arg5[%swap3A_41, %swap3A_42] : memref<256x768xf32, #tpu.memory_space<vmem>>, vector<256x256xf32>
    tpu.vector_store %arg5[%swap3A_41, %swap3A_42], %dot_general3A_40 {strides = array<i32>} : memref<256x768xf32, #tpu.memory_space<vmem>>, vector<256x256xf32>,
    %get3A_44 = arith.constant 0 : index
    %get3A_45 = arith.constant 0 : index
    %get3A_46 = vector.load %arg4[%get3A_44, %get3A_45] : memref<256x256xf32, #tpu.memory_space<vmem>>, vector<256x256xf32>
    %dot_general3A_47 = arith.constant dense<0.000000e+00> : vector<256x256xf32>
    %dot_general3A_48 = tpu.matmul %dot_general3A_40, %get3A_46, %dot_general3A_47 {dimension_numbers = #tpu.dot_dimension_numbers<[1], [1], [0], [0], [0, 0, 1, 0], [], []>, transpose_lhs_hint = false} : vector<256x256xf32>, vector<256x256xf32>, vector<256x256xf32> -> vector<256x256xf32>
    %swap3A_49 = arith.constant 0 : index
    %swap3A_50 = arith.constant 256 : index
    %swap3A_51 = vector.load %arg6[%swap3A_49, %swap3A_50] : memref<256x768xf32, #tpu.memory_space<vmem>>, vector<256x256xf32>
    tpu.vector_store %arg6[%swap3A_49, %swap3A_50], %dot_general3A_48 {strides = array<i32>} : memref<256x768xf32, #tpu.memory_space<vmem>>, vector<256x256xf32>,
    %slice3A_52 = vector.extract_strided_slice %add3A {offsets = [0, 512], sizes = [256, 256], strides = [1, 1]} : vector<256x768xf32> to vector<256x256xf32>
    %get3A_53 = arith.constant 0 : index
    %get3A_54 = arith.constant 0 : index
    %get3A_55 = vector.load %arg3[%get3A_53, %get3A_54] : memref<256x256xf32, #tpu.memory_space<vmem>>, vector<256x256xf32>
    %dot_general3A_56 = arith.constant dense<0.000000e+00> : vector<256x256xf32>
    %dot_general3A_57 = tpu.matmul %slice3A_52, %get3A_55, %dot_general3A_56 {dimension_numbers = #tpu.dot_dimension_numbers<[1], [1], [0], [0], [0, 0, 1, 0], [], []>, transpose_lhs_hint = false} : vector<256x256xf32>, vector<256x256xf32>, vector<256x256xf32> -> vector<256x256xf32>
    %swap3A_58 = arith.constant 0 : index
    %swap3A_59 = arith.constant 512 : index
    %swap3A_60 = vector.load %arg5[%swap3A_58, %swap3A_59] : memref<256x768xf32, #tpu.memory_space<vmem>>, vector<256x256xf32>
    tpu.vector_store %arg5[%swap3A_58, %swap3A_59], %dot_general3A_57 {strides = array<i32>} : memref<256x768xf32, #tpu.memory_space<vmem>>, vector<256x256xf32>,
    %get3A_61 = arith.constant 0 : index
    %get3A_62 = arith.constant 0 : index
    %get3A_63 = vector.load %arg4[%get3A_61, %get3A_62] : memref<256x256xf32, #tpu.memory_space<vmem>>, vector<256x256xf32>
    %dot_general3A_64 = arith.constant dense<0.000000e+00> : vector<256x256xf32>
    %dot_general3A_65 = tpu.matmul %dot_general3A_57, %get3A_63, %dot_general3A_64 {dimension_numbers = #tpu.dot_dimension_numbers<[1], [1], [0], [0], [0, 0, 1, 0], [], []>, transpose_lhs_hint = false} : vector<256x256xf32>, vector<256x256xf32>, vector<256x256xf32> -> vector<256x256xf32>
    %swap3A_66 = arith.constant 0 : index
    %swap3A_67 = arith.constant 512 : index
    %swap3A_68 = vector.load %arg6[%swap3A_66, %swap3A_67] : memref<256x768xf32, #tpu.memory_space<vmem>>, vector<256x256xf32>
    tpu.vector_store %arg6[%swap3A_66, %swap3A_67], %dot_general3A_65 {strides = array<i32>} : memref<256x768xf32, #tpu.memory_space<vmem>>, vector<256x256xf32>,
    return
  }
}

module attributes {stable_mosaic.version = 14 : i64} {
  func.func @_main_body(%arg0: i32, %arg1: memref<1000x768xf32, #tpu.memory_space<vmem>>, %arg2: memref<1x1x1000xi32, #tpu.memory_space<vmem>>, %arg3: memref<256x768xf32, #tpu.memory_space<vmem>>, %arg4: memref<256x256xf32, #tpu.memory_space<vmem>>, %arg5: memref<1000x768xf32, #tpu.memory_space<vmem>>) attributes {dimension_semantics = [#tpu.dimension_semantics<arbitrary>], iteration_bounds = array<i64: 50>, scalar_prefetch = 0 : i64, scratch_operands = 0 : i64, tpu.core_type = #tpu.core_type<tc>, window_params = [{transform_indices = @transform_0, window_bounds = array<i64: 1000, 768>}, {transform_indices = @transform_1, window_bounds = array<i64: 1, 1, 1000>}, {pipeline_mode = #tpu.pipeline_mode<synchronous>, transform_indices = @transform_2, window_bounds = array<i64: 256, 768>}, {pipeline_mode = #tpu.pipeline_mode<synchronous>, transform_indices = @transform_3, window_bounds = array<i64: 256, 256>}, {transform_indices = @transform_4, window_bounds = array<i64: 1000, 768>}]} {
    %get3A = arith.constant 0 : index
    %get3A_0 = arith.constant 0 : index
    %get3A_1 = vector.load %arg1[%get3A, %get3A_0] : memref<1000x768xf32, #tpu.memory_space<vmem>>, vector<1000x768xf32>
    %convert_element_type3A = arith.truncf %get3A_1 : vector<1000x768xf32> to vector<1000x768xbf16>
    %get3A_2 = arith.constant 0 : index
    %get3A_3 = arith.constant 0 : index
    %get3A_4 = vector.load %arg4[%get3A_2, %get3A_3] : memref<256x256xf32, #tpu.memory_space<vmem>>, vector<256x256xf32>
    %convert_element_type3A_5 = arith.truncf %get3A_4 : vector<256x256xf32> to vector<256x256xbf16>
    %slice3A = vector.extract_strided_slice %convert_element_type3A {offsets = [0, 0], sizes = [1000, 256], strides = [1, 1]} : vector<1000x768xbf16> to vector<1000x256xbf16>
    %dot_general3A = arith.constant dense<0.000000e+00> : vector<1000x256xf32>
    %dot_general3A_6 = tpu.matmul %slice3A, %convert_element_type3A_5, %dot_general3A {dimension_numbers = #tpu.dot_dimension_numbers<[1], [1], [0], [0], [0, 0, 1, 0], [], []>, transpose_lhs_hint = false} : vector<1000x256xbf16>, vector<256x256xbf16>, vector<1000x256xf32> -> vector<1000x256xf32>
    %slice3A_7 = vector.extract_strided_slice %convert_element_type3A {offsets = [0, 256], sizes = [1000, 256], strides = [1, 1]} : vector<1000x768xbf16> to vector<1000x256xbf16>
    %dot_general3A_8 = arith.constant dense<0.000000e+00> : vector<1000x256xf32>
    %dot_general3A_9 = tpu.matmul %slice3A_7, %convert_element_type3A_5, %dot_general3A_8 {dimension_numbers = #tpu.dot_dimension_numbers<[1], [1], [0], [0], [0, 0, 1, 0], [], []>, transpose_lhs_hint = false} : vector<1000x256xbf16>, vector<256x256xbf16>, vector<1000x256xf32> -> vector<1000x256xf32>
    %slice3A_10 = vector.extract_strided_slice %convert_element_type3A {offsets = [0, 512], sizes = [1000, 256], strides = [1, 1]} : vector<1000x768xbf16> to vector<1000x256xbf16>
    %dot_general3A_11 = arith.constant dense<0.000000e+00> : vector<1000x256xf32>
    %dot_general3A_12 = tpu.matmul %slice3A_10, %convert_element_type3A_5, %dot_general3A_11 {dimension_numbers = #tpu.dot_dimension_numbers<[1], [1], [0], [0], [0, 0, 1, 0], [], []>, transpose_lhs_hint = false} : vector<1000x256xbf16>, vector<256x256xbf16>, vector<1000x256xf32> -> vector<1000x256xf32>
    %concatenate3A = tpu.concatenate %dot_general3A_6, %dot_general3A_9, %dot_general3A_12 in 1 : vector<1000x256xf32>, vector<1000x256xf32>, vector<1000x256xf32> -> vector<1000x768xf32>
    %get3A_13 = arith.constant 0 : index
    %get3A_14 = arith.constant 0 : index
    %get3A_15 = arith.constant 0 : index
    %get3A_16 = vector.load %arg2[%get3A_13, %get3A_14, %get3A_15] : memref<1x1x1000xi32, #tpu.memory_space<vmem>>, vector<1x1x1000xi32>
    %get3A_17 = vector.shape_cast %get3A_16 : vector<1x1x1000xi32> to vector<1000xi32>
    %broadcast_in_dim3A = vector.shape_cast %get3A_17 : vector<1000xi32> to vector<1000x1xi32>
    %iota3A = tpu.iota {dimensions = array<i32: 1>} : vector<1x256xi32>
    %eq3A = vector.broadcast %broadcast_in_dim3A : vector<1000x1xi32> to vector<1000x256xi32>
    %eq3A_18 = vector.broadcast %iota3A : vector<1x256xi32> to vector<1000x256xi32>
    %eq3A_19 = arith.cmpi eq, %eq3A, %eq3A_18 : vector<1000x256xi32>
    %convert_element_type3A_20 = arith.extui %eq3A_19 : vector<1000x256xi1> to vector<1000x256xi32>
    %convert_element_type3A_21 = arith.sitofp %convert_element_type3A_20 : vector<1000x256xi32> to vector<1000x256xf32>
    %convert_element_type3A_22 = arith.truncf %convert_element_type3A_21 : vector<1000x256xf32> to vector<1000x256xbf16>
    %get3A_23 = arith.constant 0 : index
    %get3A_24 = arith.constant 0 : index
    %get3A_25 = vector.load %arg3[%get3A_23, %get3A_24] : memref<256x768xf32, #tpu.memory_space<vmem>>, vector<256x768xf32>
    %convert_element_type3A_26 = arith.truncf %get3A_25 : vector<256x768xf32> to vector<256x768xbf16>
    %dot_general3A_27 = arith.constant dense<0.000000e+00> : vector<1000x768xf32>
    %dot_general3A_28 = tpu.matmul %convert_element_type3A_22, %convert_element_type3A_26, %dot_general3A_27 {dimension_numbers = #tpu.dot_dimension_numbers<[1], [0], [0], [1], [0, 0, 1, 1], [], []>, transpose_lhs_hint = false} : vector<1000x256xbf16>, vector<256x768xbf16>, vector<1000x768xf32> -> vector<1000x768xf32>
    %add3A = arith.addf %concatenate3A, %get3A_1 : vector<1000x768xf32>
    %add3A_29 = arith.addf %add3A, %dot_general3A_28 : vector<1000x768xf32>
    %swap3A = arith.constant 0 : index
    %swap3A_30 = arith.constant 0 : index
    %swap3A_31 = vector.load %arg5[%swap3A, %swap3A_30] : memref<1000x768xf32, #tpu.memory_space<vmem>>, vector<1000x768xf32>
    tpu.vector_store %arg5[%swap3A, %swap3A_30], %add3A_29 {strides = array<i32>} : memref<1000x768xf32, #tpu.memory_space<vmem>>, vector<1000x768xf32>,
    return
  }
  func.func @transform_0(%arg0: i32) -> (i32, i32) {
    %c0_i32 = arith.constant 0 : i32
    %c0_i32_0 = arith.constant 0 : i32
    return %arg0, %c0_i32 : i32, i32
  }
  func.func @transform_1(%arg0: i32) -> (i32, i32, i32) {
    %c0_i32 = arith.constant 0 : i32
    %c0_i32_0 = arith.constant 0 : i32
    %c0_i32_1 = arith.constant 0 : i32
    return %arg0, %c0_i32, %c0_i32_0 : i32, i32, i32
  }
  func.func @transform_2(%arg0: i32) -> (i32, i32) {
    %c0_i32 = arith.constant 0 : i32
    %c0_i32_0 = arith.constant 0 : i32
    %c0_i32_1 = arith.constant 0 : i32
    return %c0_i32, %c0_i32_0 : i32, i32
  }
  func.func @transform_3(%arg0: i32) -> (i32, i32) {
    %c0_i32 = arith.constant 0 : i32
    %c0_i32_0 = arith.constant 0 : i32
    %c0_i32_1 = arith.constant 0 : i32
    return %c0_i32, %c0_i32_0 : i32, i32
  }
  func.func @transform_4(%arg0: i32) -> (i32, i32) {
    %c0_i32 = arith.constant 0 : i32
    %c0_i32_0 = arith.constant 0 : i32
    return %arg0, %c0_i32 : i32, i32
  }
}

</mosaic_0001>

<sc_bundles>
// kernel: sparse-core-data-format-call.cloned.1.call-start
scs
called_computation_lowered:
.L_overlay_start_0:
0x0: {  	s2 =	sld [smem:$0x3FD9]  }
0x1: {  	s3 =	sld [smem:$0x3FFE];
	_ =	sdelay $0x1  }
0x2: {  	s1 =	srdreg.scid  }
0x3: {  	s0 =	sand.u32 $0x1, s1  }
0x4: {  	s15 =	sshll.u32 s0, $0xA;
	s2 =	sadd.s32 s3, s2  }
0x5: {  	s2 =	sadd.s32 s2, s15  }
0x6: {  	[smem:$0x3FC3] =	sst s2  }
0x7: {  	_ = 	snop  }
0x8: {  	s2 =	sld [smem:$0x3FD0];
	_ =	sdelay $0x2  }
0x9: {  	s16 =	simm.s32 $0xA;
	s4 =	simm.s32 $0x10  }
0xa: {  	[smem:s4], [sflag:s16] =	dma.local [hbm:s2], $0x1  }
0xb: {  	_ =	swait.eq [sflag:s16], $0x1  }
0xc: {  	[sflag:s16] =	ssyncset.done $0x0  }
0xd: {  	[sflag:s16] =	ssyncadd.s32 $0xFFFFFFFF  }
0xe: {  	s17 =	sld [smem:$0x10];
	(tm) =	ssettm $0x1  }
0xf: {  	s18 =	sld [smem:$0x3FFB];
	_ =	sdelay $0x3  }
0x10: {  	_ =	strace s18  }
0x11: {  	s3 =	sld [smem:$0x3FFC];
	_ =	sdelay $0x3  }
0x12: {  	_ =	strace s3  }
0x13: {  	s3 =	sld [smem:$0x3FFD];
	_ =	sdelay $0x3  }
0x14: {  	_ =	strace s3  }
0x15: {  	_ =	strace $0x8FFFFFFF  }
0x16: {  	s19 =	sld [smem:$0x3FDB];
	_ =	sdelay $0x1  }
0x17: {  	s20 =	simm.s32 $_scs_section_size  }
0x18: {  	s5 =	simm.s32 $_size__tile_overlayer_lowered;
	s6 =	simm.s32 $_tile_overlayer_lowered  }
0x19: {  	s23 =	simm.s32 $0x1BFF;
	s22 =	sshll.u32 s6, $0x1;
	s3 =	sadd.s32 s20, s19  }
0x1a: {  	s7 =	simm.s32 $0x0;
	s21 =	sshll.u32 s5, $0x1;
	s5 =	sadd.s32 s22, s3  }
0x1b: {  	[timem:s7], [sflag:s23] =	dma.local [hbm:s5], s21  }
0x1c: {  	_ =	swait.ge [sflag:s23], s21  }
0x1d: {  	s4 =	ssub.s32 $0x0, s21;
	[sflag:s23] =	ssyncset.done $0x0  }
0x1e: {  	[sflag:s23] =	ssyncadd.s32 s4;
	_ =	sdelay $0x1  }
0x1f: {  	s24 =	simm.s32 $0x1B8B  }
0x20: {  	_ =	swait.ge [sflag:s24], $0x1  }
0x21: {  	[sflag:s24] =	ssyncset.done $0x0  }
0x22: {  	s26 =	simm.s32 $0x1B8E;
	s25 =	sld [smem:$0x3FFE];
	[sflag:s24] =	ssyncadd.s32 $0xFFFFFFFF  }
0x23: {  	s27 =	simm.s32 $execute0_lowered;
	[smem:$0x3FD2] =	sst s26  }
0x24: {  	s5 =	sshll.u32 s27, $0x1;
	_ =	strace $0x80000046;
	[dreg:$0x1] =	wrdreg $0xFFFFFFFF  }
0x25: {  	s28 =	simm.s32 $_size_execute0_lowered;
	s3 =	sadd.s32 s3, s5;
	[dreg:$0x0] =	wrdreg $0x0  }
0x26: {  	s5 =	sshll.u32 s28, $0x1;
	[dreg:$0x2] =	wrdreg s3  }
0x27: {  	[dreg:$0x3] =	wrdreg s5  }
0x28: {  	[dreg:$0x4] =	wrdreg $0xC0  }
0x29: {  	_ =	task [dreg:s7], $0x5FFFF  }
0x2a: {  	[dreg:$0x1] =	wrdreg $0xFFFFFFFF  }
0x2b: {  	[dreg:$0x0] =	wrdreg $0x60  }
0x2c: {  	[dreg:$0x2] =	wrdreg s25  }
0x2d: {  	[dreg:$0x3] =	wrdreg s17  }
0x2e: {  	[dreg:$0x4] =	wrdreg $0x9  }
0x2f: {  	_ =	task.clear_ibuf [dreg:s7], $0x5FFFF;
	_ =	strace $0x90000046  }
0x30: {  	s29 =	simm.s32 $0x9;
	_ =	strace $0x80000048  }
0x31: {  	_ =	swait.ge [sflag:s29], $0x1  }
0x32: {  	[sflag:s29] =	ssyncadd.s32 $0xFFFFFFFF  }
0x33: {  	_ =	strace $0x90000048  }
0x34: {  	_ =	sfence  }
0x35: {  	s30 =	sld [smem:$0x0];
	_ =	sdelay $0x2  }
0x36: {  	s31 =	sshll.u32 s1, $0xD;
	s1 =	sshrl.u32 s1, $0x2  }
0x37: {  	s3 =	sand.u32 $0x4000, s31;
	s1 =	sadd.s32 s1, s30  }
0x38: {  	s0 =	sor.u32 s3, s0;
	s1 =	sshll.u32 s1, $0x11  }
0x39: {  	s0 =	sor.u32 s1, s0  }
0x3a: {  	s0 =	sadd.s32 $0x8F2B, s0  }
0x3b: {  	[sflag:s0] =	ssyncadd.remote.s32 $0x1  }
0x3c: {  	_ =	sfence.sel $0xFFFF  }
0x3d: {  	[dreg:$0x0] =	wrdreg $0xFFFFFFFF;
	(pc) =	sbr.abs _section_cstart, $3  }
0x3e: {  	[dreg:$0x1] =	wrdreg $0xFFFFFFFF  }
0x3f: {  	_ =	task.clear_ibuf [dreg:s7], $0x2FFFF;
	_ =	strace $0x9FFFFFFF  }
0x40: {  	(tm) =	ssettm $0x7FFFFFFF  }
0x41: {  	_ =	shalt  }
tec
execute0_lowered:
.L_overlay_start_1:
0x0: {  	(tag) =	ssettag $0x1  }
0x1: {  	s0 =	stileid.u32;
	s1 =	srdreg.scid  }
0x2: {  	s7 =	rddreg [dreg:$0x0];
	s8 =	simm.s32 $0x2;
	s17 =	simm.s32 $0x0  }
0x3: {  	s2 =	sshll.u32 s0, $0x7;
	s3 =	sshll.u32 s0, $0x6;
	s4 =	sshll.u32 s1, $0xA  }
0x4: {  	p0 =	por $0x0, $0x0;
	s1 =	sand.u32 $0x80, s2;
	s29 =	sor.u32 s3, s4  }
0x5: {  	s9 =	simm.s32 $0x800;
	s2 =	sand.u32 $0x780, s29;
	s30 =	ssub.s32 $0x100, s1  }
0x6: {  	s18 =	simm.s32 $0x0;
	s31 =	sshrl.u32 s30, $0x7;
	s5 =	ssub.s32 $0xC300, s2  }
0x7: {  	s3 =	sshrl.u32 s30, $0x8;
	s4 =	sand.u32 $0x1, s31;
	s5 =	sshrl.u32 s5, $0xB  }
0x8: {  	s19 =	simm.s32 $0x0;
	s3 =	sadd.s32 s3, s4;
	s5 =	sadd.s32 $0x1, s5  }
0x9: {  	s10 =	simm.s32 $0x0;
	s11 =	simm.s32 $0x0;
	s6 =	smul.u32 s5, s3  }
.Ltmp0:
0xa: {  	s12 =	simm.s32 $0x0;
	s4 =	rddreg [dreg:$0x1];
	(pc) =	sbr.rel .LBB1_1-.Ltmp0, $4  }
0xb: {  	s15 =	simm.s32 $0x0;
	s16 =	simm.s32 $0x0;
	s3 =	rddreg [dreg:$0x2]  }
0xc: {  	_ =	strace $0x80000047;
	s5 =	simm.s32 $0x1;
	s6 =	smul.u32 $0x3, s6  }
0xd: {  	s7 =	sadd.s32 $0x495200, s7;
	s14 =	smov.u32 s1;
	[sflag:s5] =	ssyncpa.u1 $0x0  }
0xe: {  	s13 =	smov.u32 s2;
	[sflag:s8] =	ssyncpa.u1 $0x0;
	s8 =	sadd.s32 $0x1, s6  }
.LBB1_4:
0xf: {  	s25 =	sshll.u32 s10, $0x8;
	s26 =	sshll.u32 s11, $0x3;
	s27 =	sshll.u32 s10, $0x7  }
0x10: {  	p1 =	sgt.s32 s12, $0x2;
	s28 =	smov.u32 s12;
	s24 =	sshra.s32 s24, $0x2  }
0x11: {  	p2 =	sgt.s32 s11, $0x80;
	s25 =	sand.u32 $0xFFFFF800, s25;
	s26 =	sand.u32 $0xFFFFFC00, s26  }
0x12: {  	s29 =	sand.u32 $0x300, s27;
	s28 =	simm.s32 @!p1 $0x2;
	s25 =	sadd.s32 s26, s25  }
0x13: {  	s23 =	sadd.s32 s24, s23;
	s25 =	sor.u32 s29, s25;
	s29 =	sshra.s32 s12, $0x1F  }
0x14: {  	s27 =	sand.u32 $0x80, s27;
	s25 =	sshrl.u32 s25, $0x8;
	s29 =	sand.u32 s29, s12  }
0x15: {  	s30 =	smulhi.u32 $0x14F8B59, s25;
	s26 =	ssub.s32 s28, s29;
	s29 =	smov.u32 s11  }
0x16: {  	s28 =	sadd.s32 $0xFFFFFFFE, s26;
	s29 =	simm.s32 @!p2 $0x80;
	p2 =	sgt.s32 s10, $0xC2D0  }
0x17: {  	v5 =	vld [tilespmem:s21+$0xFFFFFFD0];
	[tilespmem:s22+$0x2040 ss:$0x81] =	vst.msk $0xffff, v4;
	s26 =	ssub.s32 $0x3, s26;
	s24 =	sshrl.u32 s30, $0x8;
	s30 =	sshra.s32 s11, $0x1F  }
0x18: {  	v58 =	vld [tilespmem:s21+$0xFFFFFFE0];
	[tilespmem:s22+$0x2850 ss:$0x81] =	vst.msk $0xffff, v3;
	p1 =	sgt.s32 s28, $0x0;
	s31 =	sand.u32 s30, s11;
	s30 =	smov.u32 s10  }
0x19: {  	v59 =	vld [tilespmem:s21+$0xFFFFFFF0];
	[tilespmem:s22+$0x3060 ss:$0x81] =	vst.msk $0xffff, v2;
	s24 =	smul.u32 $0xC350, s24;
	s28 =	ssub.s32 s29, s31;
	s31 =	sshra.s32 s10, $0x1F  }
0x1a: {  	[tilespmem:s22+$0x0 ss:$0x81] =	vst.msk $0xffff, v1;
	v60 =	vld [tilespmem:s21+$0x0];
	s26 =	simm.s32 @p1 $0x0;
	s30 =	simm.s32 @!p2 $0xC2D0;
	s29 =	sand.u32 s31, s10  }
0x1b: {  	v61 =	vld [tilespmem:s21+$0x10];
	[tilespmem:s23+$0x3870 ss:$0x81] =	vst.msk $0xffff, v0;
	s24 =	ssub.s32 s25, s24;
	s22 =	ssub.s32 s30, s29;
	s30 =	sadd.s32 $0xFFFFFF80, s28  }
0x1c: {  	v62 =	vld [tilespmem:s21+$0x20];
	[tilespmem:s23+$0x810 ss:$0x81] =	vst.msk $0xffff, v5;
	s28 =	ssub.s32 $0x100, s28;
	p1 =	sgt.s32 s30, $0x7F;
	s31 =	sadd.s32 $0xFFFF3D30, s22  }
0x1d: {  	v63 =	vld [tilespmem:s21+$0xFFFFFFC0];
	[tilespmem:s23+$0x1020 ss:$0x81] =	vst.msk $0xffff, v58;
	p2 =	sgt.s32 s31, $0x7F;
	s28 =	simm.s32 @p1 $0x0;
	s31 =	smul.u32 $0x186A00, s12  }
0x1e: {  	[tilespmem:s23+$0x1830 ss:$0x81] =	vst.msk $0xffff, v59;
	s30 =	sand.u32 $0x78, s11;
	s22 =	ssub.s32 $0xC350, s22;
	s26 =	smul.u32 s26, s28  }
0x1f: {  	[tilespmem:s23+$0x2040 ss:$0x81] =	vst.msk $0xffff, v60;
	s29 =	sand.u32 $0x7, s11;
	s21 =	sor.u32 s30, s27;
	s22 =	simm.s32 @p2 $0x0  }
0x20: {  	[tilespmem:s23+$0x2850 ss:$0x81] =	vst.msk $0xffff, v61;
	s21 =	sshrl.u32 s21, $0x3;
	s28 =	sadd.s32 s4, s31;
	s22 =	smul.u32 s22, s26  }
0x21: {  	[tilespmem:s23+$0x3060 ss:$0x81] =	vst.msk $0xffff, v62;
	s24 =	sshll.u32 s24, $0x5;
	s30 =	sshll.u32 s29, $0x12;
	s21 =	sadd.s32 s21, s28  }
0x22: {  	[tilespmem:s23+$0x0 ss:$0x81] =	vst.msk $0xffff, v63;
	s31 =	sor.u32 $0x400, s30;
	s21 =	sadd.s32 s24, s21;
	s22 =	sand.u32 $0x3FFFFFFF, s22  }
0x23: {  	[hbm4b:s21+s31] =	stream.strided.scatter [tilespmem:s20], [sflag:$0x2], s22, s9, s31, $0x20;
	[tilespmem:$0x10100] =	vst v63  }
.LBB1_5:
0x24: {  	p1 =	slt.u32 s16, $0x2  }
0x25: {  	s20 =	smov.u32 s19;
	p2 =	sgt.s32 @!p1 s19, $0x2  }
0x26: {  	s21 =	sshra.s32 @!p1 s19, $0x1F;
	p3 =	sgt.s32 @!p1 s17, $0xC2D0;
	p4 =	sgt.s32 @!p1 s18, $0x80  }
0x27: {  	s22 =	sshra.s32 @!p1 s18, $0x1F;
	p2 =	por !p2, p1;
	s19 =	sand.u32 @!p1 s21, s19  }
0x28: {  	p4 =	por !p4, p1;
	s21 =	smov.u32 s18;
	s20 =	simm.s32 @p2 $0x2  }
0x29: {  	s18 =	sand.u32 @!p1 s22, s18;
	s21 =	simm.s32 @p4 $0x80;
	s19 =	ssub.s32 @!p1 s20, s19  }
0x2a: {  	p3 =	por !p3, p1;
	s18 =	ssub.s32 @!p1 s21, s18;
	s20 =	sadd.s32 @!p1 $0xFFFFFFFE, s19  }
0x2b: {  	s21 =	sshra.s32 @!p1 s17, $0x1F;
	s19 =	ssub.s32 @!p1 $0x3, s19;
	p2 =	sgt.s32 @!p1 s20, $0x0  }
0x2c: {  	s20 =	smov.u32 s17;
	s17 =	sand.u32 @!p1 s21, s17;
	s21 =	sadd.s32 @!p1 $0xFFFFFF80, s18  }
0x2d: {  	s18 =	ssub.s32 @!p1 $0x100, s18;
	s20 =	simm.s32 @p3 $0xC2D0;
	p2 =	por !p2, p1  }
0x2e: {  	s19 =	simm.s32 @!p2 $0x0;
	s17 =	ssub.s32 @!p1 s20, s17;
	p2 =	sgt.s32 @!p1 s21, $0x7F  }
0x2f: {  	s21 =	smov.u32 s14;
	s20 =	sadd.s32 @!p1 $0xFFFF3D30, s17;
	p2 =	por !p2, p1  }
0x30: {  	s17 =	ssub.s32 @!p1 $0xC350, s17;
	s18 =	simm.s32 @!p2 $0x0;
	p2 =	sgt.s32 @!p1 s20, $0x7F  }
0x31: {  	s20 =	sadd.s32 $0x800, s13;
	p2 =	por !p2, p1;
	s18 =	smul.u32 @!p1 s19, s18  }
0x32: {  	s19 =	sadd.s32 $0x100, s14;
	s17 =	simm.s32 @!p2 $0x0;
	p2 =	sgt.s32 s20, $0xC34F  }
0x33: {  	s17 =	smul.u32 @!p1 s17, s18;
	s21 =	smov.u32 @p2 s19  }
0x34: {  	s20 =	smov.u32 @p2 s2;
	s18 =	simm.s32 $0x1;
	p2 =	sgt.s32 s21, $0xFF  }
0x35: {  	s18 =	simm.s32 @!p2 $0x0  }
0x36: {  	p0 =	por !p0, !p0;
	s24 =	sadd.s32 s18, s15  }
0x37: {  	s22 =	simm.s32 @!p1 $0x2;
	s21 =	smov.u32 @p2 s1;
	p2 =	sgt.s32 s24, $0x2  }
0x38: {  	s19 =	smov.u32 s12;
	s24 =	simm.s32 @p2 $0x0;
	p2 =	sne.s32 s16, s8  }
.Ltmp1:
0x39: {  	s12 =	smov.u32 s15;
	s17 =	sand.u32 @!p1 $0x3FFFFFFF, s17;
	(pc) =	sbr.rel @!p2 .LBB1_6-.Ltmp1, $4  }
0x3a: {  	_ =	swait.ge @!p1 [sflag:s22], s17;
	s23 =	ssub.s32 @!p1 $0x0, s17;
	s17 =	smov.u32 s10  }
0x3b: {  	s18 =	smov.u32 s11;
	s10 =	smov.u32 s13;
	s11 =	smov.u32 s14  }
0x3c: {  	s13 =	smov.u32 s20;
	s14 =	smov.u32 s21;
	[sflag:s22] =	ssyncset.done @!p1 $0x0  }
0x3d: {  	s16 =	sadd.s32 $0x1, s16;
	[sflag:s22] =	ssyncadd.s32 @!p1 s23;
	s15 =	smov.u32 s24  }
.LBB1_1:
0x3e: {  	p1 =	sge.u32 s16, s6  }
0x3f: {  	s20 =	sshrl.u32 @!p1 s14, $0x3  }
0x40: {  	s21 =	sshll.u32 @!p1 s13, $0x3;
	s20 =	smul.u32 @!p1 $0x61C00, s20  }
0x41: {  	s22 =	sshll.u32 @!p1 s14, $0x7;
	s21 =	sand.u32 @!p1 $0xFFFFFC00, s21  }
0x42: {  	s20 =	sadd.s32 @!p1 s20, s21;
	s21 =	sand.u32 @!p1 $0x380, s22  }
0x43: {  	s22 =	sand.u32 @!p1 $0x7F, s13;
	s20 =	sor.u32 @!p1 s21, s20  }
0x44: {  	s21 =	sor.u32 @!p1 s22, s20  }
0x45: {  	s22 =	smulhi.u32 @!p1 $0xA79C7B17, s21  }
0x46: {  	s20 =	smulhi.u32 @!p1 $0xA79C7B17, s20  }
0x47: {  	s22 =	sshrl.u32 @!p1 s22, $0xF  }
0x48: {  	s31 =	sadd.s32 $0xFFFFFFFF, s16;
	s20 =	sshrl.u32 @!p1 s20, $0xF;
	s22 =	smul.u32 @!p1 $0xC380, s22  }
0x49: {  	s23 =	sxor.u32 @!p1 $0xFFFFFFFF, s16;
	s24 =	smul.u32 @!p1 $0x187000, s15;
	s20 =	sand.u32 @!p1 $0xFF, s20  }
0x4a: {  	s23 =	sshll.u32 @!p1 s23, $0xE;
	s20 =	smul.u32 @!p1 $0x1870, s20;
	s21 =	ssub.s32 @!p1 s21, s22  }
0x4b: {  	s22 =	sand.u32 @!p1 $0x4000, s23;
	s23 =	sadd.s32 @!p1 s7, s24;
	s24 =	sand.u32 @!p1 $0x7, s21  }
0x4c: {  	s21 =	sshrl.u32 @!p1 s21, $0x3;
	s20 =	sadd.s32 @!p1 s20, s23;
	s23 =	sshll.u32 @!p1 s24, $0x12  }
0x4d: {  	s20 =	sadd.s32 @!p1 s21, s20;
	s21 =	sor.u32 @!p1 $0x400, s23;
	s23 =	simm.s32 @!p1 $0x61C00  }
0x4e: {  	[tilespmem:s22], [sflag:$0x1] =	stream.strided.gather @!p1 [hbm4b:s20+s21], $0x4000, s23, s21, $0x38;
	[tilespmem:$0x10100] =	vst v63  }
0x4f: {  	p1 =	sge.u32 s31, s6  }
.Ltmp2:
0x50: {  	_ = 	snop;
	(pc) =	sbr.rel @p1 .LBB1_5-.Ltmp2, $1  }
0x51: {  	_ =	sdelay $0x3  }
0x52: {  	s20 =	simm.s32 $0x1  }
0x53: {  	_ =	swait.ge [sflag:s5], $0x4000;
	s20 =	simm.s32 @!p0 $0x0  }
0x54: {  	[sflag:s5] =	ssyncset.done $0x0;
	s21 =	sshll.u32 s20, $0xE  }
0x55: {  	[sflag:s5] =	ssyncadd.s32 $0xFFFFC000;
	s21 =	sor.u32 $0x40, s21  }
0x56: {  	s20 =	smul.u32 $0x10200, s20;
	v0 =	vld [tilespmem:s21+$0x30]  }
0x57: {  	v1 =	vld [tilespmem:s21+$0xFFFFFFD0]  }
0x58: {  	s20 =	sshrl.u32 s20, $0x2;
	v5 =	vld [tilespmem:s21+$0xFFFFFFE0]  }
0x59: {  	v6 =	vld [tilespmem:s21+$0xFFFFFFF0];
	s23 =	sor.u32 $0x8000, s20  }
0x5a: {  	s31 =	sand.u32 $0x1, s16;
	v4 =	vld [tilespmem:s21+$0x0];
	s22 =	sadd.s32 $0x0, s23  }
0x5b: {  	v3 =	vld [tilespmem:s21+$0x10];
	s20 =	smul.u32 $0x10200, s31;
	[tilespmem:s22+$0x3870 ss:$0x81] =	vst.msk $0xffff, v0  }
0x5c: {  	v2 =	vld [tilespmem:s21+$0x20];
	[tilespmem:s22+$0x810 ss:$0x81] =	vst.msk $0xffff, v1  }
0x5d: {  	s20 =	sshrl.u32 s20, $0x2;
	v1 =	vld [tilespmem:s21+$0xFFFFFFC0];
	[tilespmem:s22+$0x1020 ss:$0x81] =	vst.msk $0xffff, v5;
	s21 =	sadd.s32 $0x80, s21  }
0x5e: {  	s24 =	simm.s32 $0x4;
	s25 =	simm.s32 $0x8;
	s20 =	sor.u32 $0x8000, s20;
	[tilespmem:s22+$0x1830 ss:$0x81] =	vst.msk $0xffff, v6;
	v0 =	vld [tilespmem:s21+$0x30]  }
.LBB1_3:
0x5f: {  	p1 =	sne.s32 s25, $0x1FC;
	v5 =	vld [tilespmem:s21+$0xFFFFFFD0];
	[tilespmem:s22+$0x2040 ss:$0x81] =	vst.msk $0xffff, v4  }
0x60: {  	v6 =	vld [tilespmem:s21+$0xFFFFFFE0];
	[tilespmem:s22+$0x2850 ss:$0x81] =	vst.msk $0xffff, v3  }
0x61: {  	s26 =	sshra.s32 s24, $0x2;
	s24 =	smov.u32 s25;
	v7 =	vld [tilespmem:s21+$0xFFFFFFF0];
	[tilespmem:s22+$0x3060 ss:$0x81] =	vst.msk $0xffff, v2  }
.Ltmp3:
0x62: {  	v4 =	vld [tilespmem:s21+$0x0];
	[tilespmem:s22+$0x0 ss:$0x81] =	vst.msk $0xffff, v1;
	s22 =	sadd.s32 s26, s23;
	(pc) =	sbr.rel @p1 .LBB1_3-.Ltmp3, $4  }
0x63: {  	v3 =	vld [tilespmem:s21+$0x10];
	[tilespmem:s22+$0x3870 ss:$0x81] =	vst.msk $0xffff, v0  }
0x64: {  	[tilespmem:s22+$0x810 ss:$0x81] =	vst.msk $0xffff, v5;
	v2 =	vld [tilespmem:s21+$0x20]  }
0x65: {  	v1 =	vld [tilespmem:s21+$0xFFFFFFC0];
	[tilespmem:s22+$0x1020 ss:$0x81] =	vst.msk $0xffff, v6;
	s21 =	sadd.s32 $0x80, s21  }
0x66: {  	s25 =	sadd.s32 $0x4, s25;
	v0 =	vld [tilespmem:s21+$0x30];
	[tilespmem:s22+$0x1830 ss:$0x81] =	vst.msk $0xffff, v7  }
.Ltmp4:
0x67: {  	_ = 	snop;
	(pc) =	sbr.rel .LBB1_4-.Ltmp4, $1  }
0x68: {  	_ =	sdelay $0x3  }
.LBB1_6:
0x69: {  	_ =	sfence.sel $0x180000  }
0x6a: {  	s1 =	simm.s32 $0x1;
	[bflag:$0x0] =	sbarrier.arrive $0xFFFF  }
0x6b: {  	s31 =	simm.s32 $0x2;
	[sflag:s1] =	ssyncpa.u1 $0x1  }
0x6c: {  	[sflag:s31] =	ssyncpa.u1 $0x1  }
0x6d: {  	p0 =	sne.s32 s0, $0x0;
	_ =	strace $0x90000047  }
0x6e: {  	s0 =	sadd.s32 @!p0 $0x100000, s3;
	[bflag:$0x2] =	sbarrier.arrive $0xFFFF  }
0x6f: {  	[sflag:s0] =	ssyncadd.tile.s32 @!p0 $0x1;
	_ =	shalt  }
.Lfunc_end1:
_tile_overlayer_lowered:
.L_overlay_start_2:
0x70: {  	(tag) =	ssettag $0x2  }
0x71: {  	s0 =	rddreg [dreg:$0x0];
	s2 =	stileid.u32  }
0x72: {  	s1 =	rddreg [dreg:$0x1];
	p0 =	sne.s32 s2, $0x0  }
0x73: {  	s3 =	rddreg [dreg:$0x2];
	[bflag:$0x3] =	sbarrier.arrive $0xFFFF;
	s2 =	simm.s32 @!p0 $0x1C01  }
0x74: {  	[timem:s3], [sflag:s2] =	dma.local @!p0 [hbm:s0], s1  }
0x75: {  	s0 =	simm.s32 @!p0 $0x1  }
0x76: {  	_ =	swait.ge @!p0 [sflag:s0], s1  }
0x77: {  	s1 =	ssub.s32 @!p0 $0x0, s1;
	[sflag:s0] =	ssyncset.done @!p0 $0x0  }
0x78: {  	[sflag:s0] =	ssyncadd.s32 @!p0 s1  }
0x79: {  	[bflag:$0x3] =	sbarrier.arrive $0xFFFF  }
0x7a: {  	_ =	shalt  }

</sc_bundles>
